<compile_context>
chip_gen: v7x
topology: tpu7x:2x2x1
jax: 0.10.2.dev20260603
libtpu: 0.0.44.dev20260713+nightly
codegen_flags: <defaults>
</compile_context>

<pallas_src>
import functools

import jax
import jax.numpy as jnp
from jax import lax
from jax.experimental import pallas as pl
from jax.experimental.pallas import tpu as pltpu
from jax.experimental.pallas import tpu_sc as plsc

B = 4096
F = 64
NSETS = 4
IDX_W = 128
ROWS = NSETS * B // IDX_W
NC, NS = 2, 16
NW = NC * NS
RPW = ROWS // NW


NTOT = NSETS * B
BPW = NTOT // NW
UNROLL = 16


def _sc_gather(table, idx):
    mesh = plsc.VectorSubcoreMesh(core_axis_name="c", subcore_axis_name="s")

    @functools.partial(
        pl.kernel,
        mesh=mesh,
        out_type=jax.ShapeDtypeStruct((NTOT, F), jnp.float32),
        scratch_types=[
            pltpu.VMEM((BPW,), jnp.int32),
            pltpu.VMEM((BPW, F), jnp.float32),
            pltpu.SemaphoreType.DMA,
        ],
    )
    def k(table_hbm, idx_hbm, out_hbm, idx_v, rows_v, sem):
        wid = lax.axis_index("s") * NC + lax.axis_index("c")
        base = wid * BPW
        pltpu.sync_copy(idx_hbm.at[pl.ds(base, BPW)], idx_v)

        def issue(t, _):
            tb = t * UNROLL
            vec = idx_v[pl.ds(tb, UNROLL)]
            for b in range(UNROLL):
                s = vec[b]
                pltpu.async_copy(table_hbm.at[pl.ds(s, 1)],
                                 rows_v.at[pl.ds(tb + b, 1)], sem)
            return _

        lax.fori_loop(0, BPW // UNROLL, issue, None)
        pltpu.make_async_copy(table_hbm.at[pl.ds(0, BPW)], rows_v, sem).wait()
        pltpu.sync_copy(rows_v, out_hbm.at[pl.ds(base, BPW)])

    return k(table, idx)


def _tc_body(rows_ref, w1_ref, b1_ref, w2_ref, b2_ref, w3_ref, c_ref,
             oi_ref, oj_ref):
    dot = functools.partial(jax.lax.dot,
                            precision=jax.lax.Precision.HIGHEST,
                            preferred_element_type=jnp.float32)
    eu = rows_ref[0]
    ei = rows_ref[1]
    ej = rows_ref[2]
    ec = rows_ref[3]
    w1 = w1_ref[...]
    shared = dot(eu, w1[0:F]) + dot(ec, w1[2 * F:3 * F]) + b1_ref[...]
    w1i = w1[F:2 * F]
    hi = jnp.maximum(shared + dot(ei, w1i), 0.0)
    hj = jnp.maximum(shared + dot(ej, w1i), 0.0)
    w2 = w2_ref[...]
    b2 = b2_ref[...]
    hi = jnp.maximum(dot(hi, w2) + b2, 0.0)
    hj = jnp.maximum(dot(hj, w2) + b2, 0.0)
    w3 = w3_ref[...]
    uc = eu * ec
    fmi = jnp.sum(uc * ei, axis=1, keepdims=True)
    fmj = jnp.sum(uc * ej, axis=1, keepdims=True)
    const = c_ref[...]
    oi_ref[...] = 2.0 * fmi + dot(hi, w3) + const
    oj_ref[...] = 2.0 * fmj + dot(hj, w3) + const


def _tc_fm_mlp(rows, w1t, b1r, w2t, b2r, w3t, constr):
    return pl.pallas_call(
        _tc_body,
        out_shape=[jax.ShapeDtypeStruct((B, 1), jnp.float32)] * 2,
    )(rows, w1t, b1r, w2t, b2r, w3t, constr)


def kernel(u, i, j, c, emb_table, bias_, W1, b1, W2, b2, W3, b3):
    idx = jnp.concatenate([u, i, j, c]).astype(jnp.int32)
    rows = _sc_gather(emb_table, idx).reshape(NSETS, B, F)
    constr = (bias_ + b3).reshape(1, 1)
    oi, oj = _tc_fm_mlp(rows, W1.T, b1.reshape(1, -1), W2.T,
                        b2.reshape(1, -1), W3.T, constr)
    return (oi.reshape(-1), oj.reshape(-1))

# --- scband reference (transcript-rebuilt; emitter-appended) ---
"""Pipeline reference for scband-pair-deep-fm-54984171323936 (READ-ONLY COPY).

The authoritative reference and input builder live on the scoring server;
editing this copy changes nothing except your own understanding.
"""

import jax, jax.numpy as jnp
import numpy as np

VOCAB = 1000000
FACTORS = 64
B = 4096
IN_MLP = 3 * FACTORS  # context_flag=True
MLP_DIMS = (16, 16)


def _linear_init(key, out_dim, in_dim):
    k1, k2 = jax.random.split(key)
    bound = 1.0 / np.sqrt(in_dim)
    W = jax.random.uniform(k1, (out_dim, in_dim), minval=-bound, maxval=bound, dtype=jnp.float32)
    b = jax.random.uniform(k2, (out_dim,), minval=-bound, maxval=bound, dtype=jnp.float32)
    return W, b


def setup_inputs(seed: int = 0) -> dict:
    key = jax.random.key(seed)
    ks = jax.random.split(key, 9)
    u = jax.random.randint(ks[0], (B,), 0, VOCAB)
    i = jax.random.randint(ks[1], (B,), 0, VOCAB)
    j = jax.random.randint(ks[2], (B,), 0, VOCAB)
    c = jax.random.randint(ks[3], (B,), 0, VOCAB)
    emb_table = jax.random.normal(ks[4], (VOCAB, FACTORS), dtype=jnp.float32) * 0.01
    bias_ = jnp.zeros((1,), dtype=jnp.float32)
    W1, b1 = _linear_init(ks[5], MLP_DIMS[0], IN_MLP)
    W2, b2 = _linear_init(ks[6], MLP_DIMS[1], MLP_DIMS[0])
    W3, b3 = _linear_init(ks[7], 1, MLP_DIMS[1])
    return {"u": u, "i": i, "j": j, "c": c, "emb_table": emb_table, "bias_": bias_,
            "W1": W1, "b1": b1, "W2": W2, "b2": b2, "W3": W3, "b3": b3}


def _mlp(x, W1, b1, W2, b2, W3, b3):
    # MultiLayerPerceptron (torchfm style, eval mode: dropout off, BN at default stats ~= identity)
    h = jax.nn.relu(x @ W1.T + b1)
    h = jax.nn.relu(h @ W2.T + b2)
    return h @ W3.T + b3  # [B, 1]


def _out(user, item, context, emb_table, bias_, W1, b1, W2, b2, W3, b3):
    idx = jnp.stack((user, item, context), axis=1)         # [B, 3]
    embeddings = jnp.take(emb_table, idx, axis=0)          # [B, 3, F]  (SparseCore gather)
    fm = jnp.prod(embeddings, axis=1)                       # [B, F]
    # fm_layers: batch_norm=False, dropout (eval) -> identity
    y_fm = fm.sum(axis=-1)                                  # [B]
    y_fm = y_fm + y_fm + bias_                              # y_fm += y_fm + bias_
    y_deep = embeddings.reshape(-1, IN_MLP)                 # [B, 3F]
    y_deep = _mlp(y_deep, W1, b1, W2, b2, W3, b3).squeeze() # [B]
    pred = y_fm + y_deep
    return pred.reshape(-1)


def reference(u, i, j, c, emb_table, bias_, W1, b1, W2, b2, W3, b3):
    pred_i = _out(u, i, c, emb_table, bias_, W1, b1, W2, b2, W3, b3)
    pred_j = _out(u, j, c, emb_table, bias_, W1, b1, W2, b2, W3, b3)
    return (pred_i, pred_j)

if __name__ == "__main__":
    import jax
    _d = setup_inputs()
    print(jax.jit(kernel)(*tuple(_d.values())))

</pallas_src>

<mosaic_0001>
#map = affine_map<(d0, d1) -> (0, 0)>
#map1 = affine_map<(d0, d1) -> (0)>
module attributes {stable_mosaic.version = 14 : i64} {
  func.func @k(%arg0: i32, %arg1: i32, %arg2: memref<1000000x64xf32, #tpu.memory_space<hbm>>, %arg3: memref<16384xi32, #tpu.memory_space<hbm>>, %arg4: memref<16384x64xf32, #tpu.memory_space<hbm>>, %arg5: memref<512xi32, #tpu.memory_space<vmem>>, %arg6: memref<512x64xf32, #tpu.memory_space<vmem>>, %arg7: memref<!tpu.dma_semaphore, #tpu.memory_space<semaphore_mem>>) attributes {dimension_semantics = [#tpu.dimension_semantics<core_parallel>, #tpu.dimension_semantics<subcore_parallel>], iteration_bounds = array<i64: 2, 16>, scalar_prefetch = 0 : i64, scratch_operands = 3 : i64, tpu.core_type = #tpu.core_type<sc_vector_subcore>, window_params = [{transform_indices = #map}, {transform_indices = #map1}, {transform_indices = #map}]} {
    %mul3A = arith.constant 2 : i32
    %mul3A_0 = arith.muli %arg1, %mul3A : i32
    %add3A = arith.addi %mul3A_0, %arg0 : i32
    %mul3A_1 = arith.constant 512 : i32
    %mul3A_2 = arith.muli %add3A, %mul3A_1 : i32
    "tpu.region"() ({
      %run_scoped3A = tpu.sem_alloc : memref<!tpu.dma_semaphore, #tpu.memory_space<semaphore_mem>>
      %dma_start3A = tpu.memref_slice %arg3[%mul3A_2] : memref<16384xi32, #tpu.memory_space<hbm>> -> memref<512xi32, #tpu.memory_space<hbm>>
      %dma_start3A_12 = tpu.memref_slice %arg3[%mul3A_2] : memref<16384xi32, #tpu.memory_space<hbm>> -> memref<512xi32, #tpu.memory_space<hbm>>
      tpu.enqueue_dma source(%dma_start3A_12 : memref<512xi32, #tpu.memory_space<hbm>>) target(%arg5 : memref<512xi32, #tpu.memory_space<vmem>>) target_semaphore(%run_scoped3A : memref<!tpu.dma_semaphore, #tpu.memory_space<semaphore_mem>>)
      %dma_wait3A_13 = tpu.memref_slice %arg3[%mul3A_2] : memref<16384xi32, #tpu.memory_space<hbm>> -> memref<512xi32, #tpu.memory_space<hbm>>
      %dma_wait3A_14 = tpu.memref_slice %arg3[%mul3A_2] : memref<16384xi32, #tpu.memory_space<hbm>> -> memref<512xi32, #tpu.memory_space<hbm>>
      tpu.wait_dma2 semaphore(%run_scoped3A : memref<!tpu.dma_semaphore, #tpu.memory_space<semaphore_mem>>) src(%dma_wait3A_14 : memref<512xi32, #tpu.memory_space<hbm>>) dst(%arg5 : memref<512xi32, #tpu.memory_space<vmem>>)
      tpu.yield
    }) : () -> ()
    %scan3A = arith.constant 0 : i32
    %scan3A_3 = arith.constant 32 : i32
    %scan3A_4 = arith.addi %scan3A, %scan3A_3 : i32
    %scan3A_5 = arith.constant 1 : i32
    scf.for %scan3A_12 = %scan3A to %scan3A_4 step %scan3A_5  : i32 {
      %mul3A_13 = arith.constant 16 : i32
      %mul3A_14 = arith.muli %scan3A_12, %mul3A_13 : i32
      %get3A = arith.index_cast %mul3A_14 : i32 to index
      %get3A_15 = tpu.vector_load %arg5[%get3A] {strides = array<i32>} : memref<512xi32, #tpu.memory_space<vmem>>, vector<16xi32>,
      %get3A_16 = vector.shape_cast %get3A_15 : vector<16xi32> to vector<16xi32>
      %slice3A = vector.extract_strided_slice %get3A_16 {offsets = [0], sizes = [1], strides = [1]} : vector<16xi32> to vector<1xi32>
      %squeeze3A = vector.extract %slice3A[0] : i32 from vector<1xi32>
      %add3A_17 = arith.constant 0 : i32
      %add3A_18 = arith.addi %mul3A_14, %add3A_17 : i32
      %dma_start3A = arith.constant 0 : i32
      %dma_start3A_19 = tpu.memref_slice %arg6[%add3A_18, %dma_start3A] : memref<512x64xf32, #tpu.memory_space<vmem>> -> memref<1x64xf32, #tpu.memory_space<vmem>>
      %dma_start3A_20 = arith.constant 0 : i32
      %dma_start3A_21 = tpu.memref_slice %arg2[%squeeze3A, %dma_start3A_20] : memref<1000000x64xf32, #tpu.memory_space<hbm>> -> memref<1x64xf32, #tpu.memory_space<hbm>>
      %dma_start3A_22 = arith.constant 0 : i32
      %dma_start3A_23 = tpu.memref_slice %arg6[%add3A_18, %dma_start3A_22] : memref<512x64xf32, #tpu.memory_space<vmem>> -> memref<1x64xf32, #tpu.memory_space<vmem>>
      %dma_start3A_24 = arith.constant 0 : i32
      %dma_start3A_25 = tpu.memref_slice %arg2[%squeeze3A, %dma_start3A_24] : memref<1000000x64xf32, #tpu.memory_space<hbm>> -> memref<1x64xf32, #tpu.memory_space<hbm>>
      tpu.enqueue_dma source(%dma_start3A_25 : memref<1x64xf32, #tpu.memory_space<hbm>>) target(%dma_start3A_23 : memref<1x64xf32, #tpu.memory_space<vmem>>) target_semaphore(%arg7 : memref<!tpu.dma_semaphore, #tpu.memory_space<semaphore_mem>>)
      %slice3A_26 = vector.extract_strided_slice %get3A_16 {offsets = [1], sizes = [1], strides = [1]} : vector<16xi32> to vector<1xi32>
      %squeeze3A_27 = vector.extract %slice3A_26[0] : i32 from vector<1xi32>
      %add3A_28 = arith.constant 1 : i32
      %add3A_29 = arith.addi %mul3A_14, %add3A_28 : i32
      %dma_start3A_30 = arith.constant 0 : i32
      %dma_start3A_31 = tpu.memref_slice %arg6[%add3A_29, %dma_start3A_30] : memref<512x64xf32, #tpu.memory_space<vmem>> -> memref<1x64xf32, #tpu.memory_space<vmem>>
      %dma_start3A_32 = arith.constant 0 : i32
      %dma_start3A_33 = tpu.memref_slice %arg2[%squeeze3A_27, %dma_start3A_32] : memref<1000000x64xf32, #tpu.memory_space<hbm>> -> memref<1x64xf32, #tpu.memory_space<hbm>>
      %dma_start3A_34 = arith.constant 0 : i32
      %dma_start3A_35 = tpu.memref_slice %arg6[%add3A_29, %dma_start3A_34] : memref<512x64xf32, #tpu.memory_space<vmem>> -> memref<1x64xf32, #tpu.memory_space<vmem>>
      %dma_start3A_36 = arith.constant 0 : i32
      %dma_start3A_37 = tpu.memref_slice %arg2[%squeeze3A_27, %dma_start3A_36] : memref<1000000x64xf32, #tpu.memory_space<hbm>> -> memref<1x64xf32, #tpu.memory_space<hbm>>
      tpu.enqueue_dma source(%dma_start3A_37 : memref<1x64xf32, #tpu.memory_space<hbm>>) target(%dma_start3A_35 : memref<1x64xf32, #tpu.memory_space<vmem>>) target_semaphore(%arg7 : memref<!tpu.dma_semaphore, #tpu.memory_space<semaphore_mem>>)
      %slice3A_38 = vector.extract_strided_slice %get3A_16 {offsets = [2], sizes = [1], strides = [1]} : vector<16xi32> to vector<1xi32>
      %squeeze3A_39 = vector.extract %slice3A_38[0] : i32 from vector<1xi32>
      %add3A_40 = arith.constant 2 : i32
      %add3A_41 = arith.addi %mul3A_14, %add3A_40 : i32
      %dma_start3A_42 = arith.constant 0 : i32
      %dma_start3A_43 = tpu.memref_slice %arg6[%add3A_41, %dma_start3A_42] : memref<512x64xf32, #tpu.memory_space<vmem>> -> memref<1x64xf32, #tpu.memory_space<vmem>>
      %dma_start3A_44 = arith.constant 0 : i32
      %dma_start3A_45 = tpu.memref_slice %arg2[%squeeze3A_39, %dma_start3A_44] : memref<1000000x64xf32, #tpu.memory_space<hbm>> -> memref<1x64xf32, #tpu.memory_space<hbm>>
      %dma_start3A_46 = arith.constant 0 : i32
      %dma_start3A_47 = tpu.memref_slice %arg6[%add3A_41, %dma_start3A_46] : memref<512x64xf32, #tpu.memory_space<vmem>> -> memref<1x64xf32, #tpu.memory_space<vmem>>
      %dma_start3A_48 = arith.constant 0 : i32
      %dma_start3A_49 = tpu.memref_slice %arg2[%squeeze3A_39, %dma_start3A_48] : memref<1000000x64xf32, #tpu.memory_space<hbm>> -> memref<1x64xf32, #tpu.memory_space<hbm>>
      tpu.enqueue_dma source(%dma_start3A_49 : memref<1x64xf32, #tpu.memory_space<hbm>>) target(%dma_start3A_47 : memref<1x64xf32, #tpu.memory_space<vmem>>) target_semaphore(%arg7 : memref<!tpu.dma_semaphore, #tpu.memory_space<semaphore_mem>>)
      %slice3A_50 = vector.extract_strided_slice %get3A_16 {offsets = [3], sizes = [1], strides = [1]} : vector<16xi32> to vector<1xi32>
      %squeeze3A_51 = vector.extract %slice3A_50[0] : i32 from vector<1xi32>
      %add3A_52 = arith.constant 3 : i32
      %add3A_53 = arith.addi %mul3A_14, %add3A_52 : i32
      %dma_start3A_54 = arith.constant 0 : i32
      %dma_start3A_55 = tpu.memref_slice %arg6[%add3A_53, %dma_start3A_54] : memref<512x64xf32, #tpu.memory_space<vmem>> -> memref<1x64xf32, #tpu.memory_space<vmem>>
      %dma_start3A_56 = arith.constant 0 : i32
      %dma_start3A_57 = tpu.memref_slice %arg2[%squeeze3A_51, %dma_start3A_56] : memref<1000000x64xf32, #tpu.memory_space<hbm>> -> memref<1x64xf32, #tpu.memory_space<hbm>>
      %dma_start3A_58 = arith.constant 0 : i32
      %dma_start3A_59 = tpu.memref_slice %arg6[%add3A_53, %dma_start3A_58] : memref<512x64xf32, #tpu.memory_space<vmem>> -> memref<1x64xf32, #tpu.memory_space<vmem>>
      %dma_start3A_60 = arith.constant 0 : i32
      %dma_start3A_61 = tpu.memref_slice %arg2[%squeeze3A_51, %dma_start3A_60] : memref<1000000x64xf32, #tpu.memory_space<hbm>> -> memref<1x64xf32, #tpu.memory_space<hbm>>
      tpu.enqueue_dma source(%dma_start3A_61 : memref<1x64xf32, #tpu.memory_space<hbm>>) target(%dma_start3A_59 : memref<1x64xf32, #tpu.memory_space<vmem>>) target_semaphore(%arg7 : memref<!tpu.dma_semaphore, #tpu.memory_space<semaphore_mem>>)
      %slice3A_62 = vector.extract_strided_slice %get3A_16 {offsets = [4], sizes = [1], strides = [1]} : vector<16xi32> to vector<1xi32>
      %squeeze3A_63 = vector.extract %slice3A_62[0] : i32 from vector<1xi32>
      %add3A_64 = arith.constant 4 : i32
      %add3A_65 = arith.addi %mul3A_14, %add3A_64 : i32
      %dma_start3A_66 = arith.constant 0 : i32
      %dma_start3A_67 = tpu.memref_slice %arg6[%add3A_65, %dma_start3A_66] : memref<512x64xf32, #tpu.memory_space<vmem>> -> memref<1x64xf32, #tpu.memory_space<vmem>>
      %dma_start3A_68 = arith.constant 0 : i32
      %dma_start3A_69 = tpu.memref_slice %arg2[%squeeze3A_63, %dma_start3A_68] : memref<1000000x64xf32, #tpu.memory_space<hbm>> -> memref<1x64xf32, #tpu.memory_space<hbm>>
      %dma_start3A_70 = arith.constant 0 : i32
      %dma_start3A_71 = tpu.memref_slice %arg6[%add3A_65, %dma_start3A_70] : memref<512x64xf32, #tpu.memory_space<vmem>> -> memref<1x64xf32, #tpu.memory_space<vmem>>
      %dma_start3A_72 = arith.constant 0 : i32
      %dma_start3A_73 = tpu.memref_slice %arg2[%squeeze3A_63, %dma_start3A_72] : memref<1000000x64xf32, #tpu.memory_space<hbm>> -> memref<1x64xf32, #tpu.memory_space<hbm>>
      tpu.enqueue_dma source(%dma_start3A_73 : memref<1x64xf32, #tpu.memory_space<hbm>>) target(%dma_start3A_71 : memref<1x64xf32, #tpu.memory_space<vmem>>) target_semaphore(%arg7 : memref<!tpu.dma_semaphore, #tpu.memory_space<semaphore_mem>>)
      %slice3A_74 = vector.extract_strided_slice %get3A_16 {offsets = [5], sizes = [1], strides = [1]} : vector<16xi32> to vector<1xi32>
      %squeeze3A_75 = vector.extract %slice3A_74[0] : i32 from vector<1xi32>
      %add3A_76 = arith.constant 5 : i32
      %add3A_77 = arith.addi %mul3A_14, %add3A_76 : i32
      %dma_start3A_78 = arith.constant 0 : i32
      %dma_start3A_79 = tpu.memref_slice %arg6[%add3A_77, %dma_start3A_78] : memref<512x64xf32, #tpu.memory_space<vmem>> -> memref<1x64xf32, #tpu.memory_space<vmem>>
      %dma_start3A_80 = arith.constant 0 : i32
      %dma_start3A_81 = tpu.memref_slice %arg2[%squeeze3A_75, %dma_start3A_80] : memref<1000000x64xf32, #tpu.memory_space<hbm>> -> memref<1x64xf32, #tpu.memory_space<hbm>>
      %dma_start3A_82 = arith.constant 0 : i32
      %dma_start3A_83 = tpu.memref_slice %arg6[%add3A_77, %dma_start3A_82] : memref<512x64xf32, #tpu.memory_space<vmem>> -> memref<1x64xf32, #tpu.memory_space<vmem>>
      %dma_start3A_84 = arith.constant 0 : i32
      %dma_start3A_85 = tpu.memref_slice %arg2[%squeeze3A_75, %dma_start3A_84] : memref<1000000x64xf32, #tpu.memory_space<hbm>> -> memref<1x64xf32, #tpu.memory_space<hbm>>
      tpu.enqueue_dma source(%dma_start3A_85 : memref<1x64xf32, #tpu.memory_space<hbm>>) target(%dma_start3A_83 : memref<1x64xf32, #tpu.memory_space<vmem>>) target_semaphore(%arg7 : memref<!tpu.dma_semaphore, #tpu.memory_space<semaphore_mem>>)
      %slice3A_86 = vector.extract_strided_slice %get3A_16 {offsets = [6], sizes = [1], strides = [1]} : vector<16xi32> to vector<1xi32>
      %squeeze3A_87 = vector.extract %slice3A_86[0] : i32 from vector<1xi32>
      %add3A_88 = arith.constant 6 : i32
      %add3A_89 = arith.addi %mul3A_14, %add3A_88 : i32
      %dma_start3A_90 = arith.constant 0 : i32
      %dma_start3A_91 = tpu.memref_slice %arg6[%add3A_89, %dma_start3A_90] : memref<512x64xf32, #tpu.memory_space<vmem>> -> memref<1x64xf32, #tpu.memory_space<vmem>>
      %dma_start3A_92 = arith.constant 0 : i32
      %dma_start3A_93 = tpu.memref_slice %arg2[%squeeze3A_87, %dma_start3A_92] : memref<1000000x64xf32, #tpu.memory_space<hbm>> -> memref<1x64xf32, #tpu.memory_space<hbm>>
      %dma_start3A_94 = arith.constant 0 : i32
      %dma_start3A_95 = tpu.memref_slice %arg6[%add3A_89, %dma_start3A_94] : memref<512x64xf32, #tpu.memory_space<vmem>> -> memref<1x64xf32, #tpu.memory_space<vmem>>
      %dma_start3A_96 = arith.constant 0 : i32
      %dma_start3A_97 = tpu.memref_slice %arg2[%squeeze3A_87, %dma_start3A_96] : memref<1000000x64xf32, #tpu.memory_space<hbm>> -> memref<1x64xf32, #tpu.memory_space<hbm>>
      tpu.enqueue_dma source(%dma_start3A_97 : memref<1x64xf32, #tpu.memory_space<hbm>>) target(%dma_start3A_95 : memref<1x64xf32, #tpu.memory_space<vmem>>) target_semaphore(%arg7 : memref<!tpu.dma_semaphore, #tpu.memory_space<semaphore_mem>>)
      %slice3A_98 = vector.extract_strided_slice %get3A_16 {offsets = [7], sizes = [1], strides = [1]} : vector<16xi32> to vector<1xi32>
      %squeeze3A_99 = vector.extract %slice3A_98[0] : i32 from vector<1xi32>
      %add3A_100 = arith.constant 7 : i32
      %add3A_101 = arith.addi %mul3A_14, %add3A_100 : i32
      %dma_start3A_102 = arith.constant 0 : i32
      %dma_start3A_103 = tpu.memref_slice %arg6[%add3A_101, %dma_start3A_102] : memref<512x64xf32, #tpu.memory_space<vmem>> -> memref<1x64xf32, #tpu.memory_space<vmem>>
      %dma_start3A_104 = arith.constant 0 : i32
      %dma_start3A_105 = tpu.memref_slice %arg2[%squeeze3A_99, %dma_start3A_104] : memref<1000000x64xf32, #tpu.memory_space<hbm>> -> memref<1x64xf32, #tpu.memory_space<hbm>>
      %dma_start3A_106 = arith.constant 0 : i32
      %dma_start3A_107 = tpu.memref_slice %arg6[%add3A_101, %dma_start3A_106] : memref<512x64xf32, #tpu.memory_space<vmem>> -> memref<1x64xf32, #tpu.memory_space<vmem>>
      %dma_start3A_108 = arith.constant 0 : i32
      %dma_start3A_109 = tpu.memref_slice %arg2[%squeeze3A_99, %dma_start3A_108] : memref<1000000x64xf32, #tpu.memory_space<hbm>> -> memref<1x64xf32, #tpu.memory_space<hbm>>
      tpu.enqueue_dma source(%dma_start3A_109 : memref<1x64xf32, #tpu.memory_space<hbm>>) target(%dma_start3A_107 : memref<1x64xf32, #tpu.memory_space<vmem>>) target_semaphore(%arg7 : memref<!tpu.dma_semaphore, #tpu.memory_space<semaphore_mem>>)
      %slice3A_110 = vector.extract_strided_slice %get3A_16 {offsets = [8], sizes = [1], strides = [1]} : vector<16xi32> to vector<1xi32>
      %squeeze3A_111 = vector.extract %slice3A_110[0] : i32 from vector<1xi32>
      %add3A_112 = arith.constant 8 : i32
      %add3A_113 = arith.addi %mul3A_14, %add3A_112 : i32
      %dma_start3A_114 = arith.constant 0 : i32
      %dma_start3A_115 = tpu.memref_slice %arg6[%add3A_113, %dma_start3A_114] : memref<512x64xf32, #tpu.memory_space<vmem>> -> memref<1x64xf32, #tpu.memory_space<vmem>>
      %dma_start3A_116 = arith.constant 0 : i32
      %dma_start3A_117 = tpu.memref_slice %arg2[%squeeze3A_111, %dma_start3A_116] : memref<1000000x64xf32, #tpu.memory_space<hbm>> -> memref<1x64xf32, #tpu.memory_space<hbm>>
      %dma_start3A_118 = arith.constant 0 : i32
      %dma_start3A_119 = tpu.memref_slice %arg6[%add3A_113, %dma_start3A_118] : memref<512x64xf32, #tpu.memory_space<vmem>> -> memref<1x64xf32, #tpu.memory_space<vmem>>
      %dma_start3A_120 = arith.constant 0 : i32
      %dma_start3A_121 = tpu.memref_slice %arg2[%squeeze3A_111, %dma_start3A_120] : memref<1000000x64xf32, #tpu.memory_space<hbm>> -> memref<1x64xf32, #tpu.memory_space<hbm>>
      tpu.enqueue_dma source(%dma_start3A_121 : memref<1x64xf32, #tpu.memory_space<hbm>>) target(%dma_start3A_119 : memref<1x64xf32, #tpu.memory_space<vmem>>) target_semaphore(%arg7 : memref<!tpu.dma_semaphore, #tpu.memory_space<semaphore_mem>>)
      %slice3A_122 = vector.extract_strided_slice %get3A_16 {offsets = [9], sizes = [1], strides = [1]} : vector<16xi32> to vector<1xi32>
      %squeeze3A_123 = vector.extract %slice3A_122[0] : i32 from vector<1xi32>
      %add3A_124 = arith.constant 9 : i32
      %add3A_125 = arith.addi %mul3A_14, %add3A_124 : i32
      %dma_start3A_126 = arith.constant 0 : i32
      %dma_start3A_127 = tpu.memref_slice %arg6[%add3A_125, %dma_start3A_126] : memref<512x64xf32, #tpu.memory_space<vmem>> -> memref<1x64xf32, #tpu.memory_space<vmem>>
      %dma_start3A_128 = arith.constant 0 : i32
      %dma_start3A_129 = tpu.memref_slice %arg2[%squeeze3A_123, %dma_start3A_128] : memref<1000000x64xf32, #tpu.memory_space<hbm>> -> memref<1x64xf32, #tpu.memory_space<hbm>>
      %dma_start3A_130 = arith.constant 0 : i32
      %dma_start3A_131 = tpu.memref_slice %arg6[%add3A_125, %dma_start3A_130] : memref<512x64xf32, #tpu.memory_space<vmem>> -> memref<1x64xf32, #tpu.memory_space<vmem>>
      %dma_start3A_132 = arith.constant 0 : i32
      %dma_start3A_133 = tpu.memref_slice %arg2[%squeeze3A_123, %dma_start3A_132] : memref<1000000x64xf32, #tpu.memory_space<hbm>> -> memref<1x64xf32, #tpu.memory_space<hbm>>
      tpu.enqueue_dma source(%dma_start3A_133 : memref<1x64xf32, #tpu.memory_space<hbm>>) target(%dma_start3A_131 : memref<1x64xf32, #tpu.memory_space<vmem>>) target_semaphore(%arg7 : memref<!tpu.dma_semaphore, #tpu.memory_space<semaphore_mem>>)
      %slice3A_134 = vector.extract_strided_slice %get3A_16 {offsets = [10], sizes = [1], strides = [1]} : vector<16xi32> to vector<1xi32>
      %squeeze3A_135 = vector.extract %slice3A_134[0] : i32 from vector<1xi32>
      %add3A_136 = arith.constant 10 : i32
      %add3A_137 = arith.addi %mul3A_14, %add3A_136 : i32
      %dma_start3A_138 = arith.constant 0 : i32
      %dma_start3A_139 = tpu.memref_slice %arg6[%add3A_137, %dma_start3A_138] : memref<512x64xf32, #tpu.memory_space<vmem>> -> memref<1x64xf32, #tpu.memory_space<vmem>>
      %dma_start3A_140 = arith.constant 0 : i32
      %dma_start3A_141 = tpu.memref_slice %arg2[%squeeze3A_135, %dma_start3A_140] : memref<1000000x64xf32, #tpu.memory_space<hbm>> -> memref<1x64xf32, #tpu.memory_space<hbm>>
      %dma_start3A_142 = arith.constant 0 : i32
      %dma_start3A_143 = tpu.memref_slice %arg6[%add3A_137, %dma_start3A_142] : memref<512x64xf32, #tpu.memory_space<vmem>> -> memref<1x64xf32, #tpu.memory_space<vmem>>
      %dma_start3A_144 = arith.constant 0 : i32
      %dma_start3A_145 = tpu.memref_slice %arg2[%squeeze3A_135, %dma_start3A_144] : memref<1000000x64xf32, #tpu.memory_space<hbm>> -> memref<1x64xf32, #tpu.memory_space<hbm>>
      tpu.enqueue_dma source(%dma_start3A_145 : memref<1x64xf32, #tpu.memory_space<hbm>>) target(%dma_start3A_143 : memref<1x64xf32, #tpu.memory_space<vmem>>) target_semaphore(%arg7 : memref<!tpu.dma_semaphore, #tpu.memory_space<semaphore_mem>>)
      %slice3A_146 = vector.extract_strided_slice %get3A_16 {offsets = [11], sizes = [1], strides = [1]} : vector<16xi32> to vector<1xi32>
      %squeeze3A_147 = vector.extract %slice3A_146[0] : i32 from vector<1xi32>
      %add3A_148 = arith.constant 11 : i32
      %add3A_149 = arith.addi %mul3A_14, %add3A_148 : i32
      %dma_start3A_150 = arith.constant 0 : i32
      %dma_start3A_151 = tpu.memref_slice %arg6[%add3A_149, %dma_start3A_150] : memref<512x64xf32, #tpu.memory_space<vmem>> -> memref<1x64xf32, #tpu.memory_space<vmem>>
      %dma_start3A_152 = arith.constant 0 : i32
      %dma_start3A_153 = tpu.memref_slice %arg2[%squeeze3A_147, %dma_start3A_152] : memref<1000000x64xf32, #tpu.memory_space<hbm>> -> memref<1x64xf32, #tpu.memory_space<hbm>>
      %dma_start3A_154 = arith.constant 0 : i32
      %dma_start3A_155 = tpu.memref_slice %arg6[%add3A_149, %dma_start3A_154] : memref<512x64xf32, #tpu.memory_space<vmem>> -> memref<1x64xf32, #tpu.memory_space<vmem>>
      %dma_start3A_156 = arith.constant 0 : i32
      %dma_start3A_157 = tpu.memref_slice %arg2[%squeeze3A_147, %dma_start3A_156] : memref<1000000x64xf32, #tpu.memory_space<hbm>> -> memref<1x64xf32, #tpu.memory_space<hbm>>
      tpu.enqueue_dma source(%dma_start3A_157 : memref<1x64xf32, #tpu.memory_space<hbm>>) target(%dma_start3A_155 : memref<1x64xf32, #tpu.memory_space<vmem>>) target_semaphore(%arg7 : memref<!tpu.dma_semaphore, #tpu.memory_space<semaphore_mem>>)
      %slice3A_158 = vector.extract_strided_slice %get3A_16 {offsets = [12], sizes = [1], strides = [1]} : vector<16xi32> to vector<1xi32>
      %squeeze3A_159 = vector.extract %slice3A_158[0] : i32 from vector<1xi32>
      %add3A_160 = arith.constant 12 : i32
      %add3A_161 = arith.addi %mul3A_14, %add3A_160 : i32
      %dma_start3A_162 = arith.constant 0 : i32
      %dma_start3A_163 = tpu.memref_slice %arg6[%add3A_161, %dma_start3A_162] : memref<512x64xf32, #tpu.memory_space<vmem>> -> memref<1x64xf32, #tpu.memory_space<vmem>>
      %dma_start3A_164 = arith.constant 0 : i32
      %dma_start3A_165 = tpu.memref_slice %arg2[%squeeze3A_159, %dma_start3A_164] : memref<1000000x64xf32, #tpu.memory_space<hbm>> -> memref<1x64xf32, #tpu.memory_space<hbm>>
      %dma_start3A_166 = arith.constant 0 : i32
      %dma_start3A_167 = tpu.memref_slice %arg6[%add3A_161, %dma_start3A_166] : memref<512x64xf32, #tpu.memory_space<vmem>> -> memref<1x64xf32, #tpu.memory_space<vmem>>
      %dma_start3A_168 = arith.constant 0 : i32
      %dma_start3A_169 = tpu.memref_slice %arg2[%squeeze3A_159, %dma_start3A_168] : memref<1000000x64xf32, #tpu.memory_space<hbm>> -> memref<1x64xf32, #tpu.memory_space<hbm>>
      tpu.enqueue_dma source(%dma_start3A_169 : memref<1x64xf32, #tpu.memory_space<hbm>>) target(%dma_start3A_167 : memref<1x64xf32, #tpu.memory_space<vmem>>) target_semaphore(%arg7 : memref<!tpu.dma_semaphore, #tpu.memory_space<semaphore_mem>>)
      %slice3A_170 = vector.extract_strided_slice %get3A_16 {offsets = [13], sizes = [1], strides = [1]} : vector<16xi32> to vector<1xi32>
      %squeeze3A_171 = vector.extract %slice3A_170[0] : i32 from vector<1xi32>
      %add3A_172 = arith.constant 13 : i32
      %add3A_173 = arith.addi %mul3A_14, %add3A_172 : i32
      %dma_start3A_174 = arith.constant 0 : i32
      %dma_start3A_175 = tpu.memref_slice %arg6[%add3A_173, %dma_start3A_174] : memref<512x64xf32, #tpu.memory_space<vmem>> -> memref<1x64xf32, #tpu.memory_space<vmem>>
      %dma_start3A_176 = arith.constant 0 : i32
      %dma_start3A_177 = tpu.memref_slice %arg2[%squeeze3A_171, %dma_start3A_176] : memref<1000000x64xf32, #tpu.memory_space<hbm>> -> memref<1x64xf32, #tpu.memory_space<hbm>>
      %dma_start3A_178 = arith.constant 0 : i32
      %dma_start3A_179 = tpu.memref_slice %arg6[%add3A_173, %dma_start3A_178] : memref<512x64xf32, #tpu.memory_space<vmem>> -> memref<1x64xf32, #tpu.memory_space<vmem>>
      %dma_start3A_180 = arith.constant 0 : i32
      %dma_start3A_181 = tpu.memref_slice %arg2[%squeeze3A_171, %dma_start3A_180] : memref<1000000x64xf32, #tpu.memory_space<hbm>> -> memref<1x64xf32, #tpu.memory_space<hbm>>
      tpu.enqueue_dma source(%dma_start3A_181 : memref<1x64xf32, #tpu.memory_space<hbm>>) target(%dma_start3A_179 : memref<1x64xf32, #tpu.memory_space<vmem>>) target_semaphore(%arg7 : memref<!tpu.dma_semaphore, #tpu.memory_space<semaphore_mem>>)
      %slice3A_182 = vector.extract_strided_slice %get3A_16 {offsets = [14], sizes = [1], strides = [1]} : vector<16xi32> to vector<1xi32>
      %squeeze3A_183 = vector.extract %slice3A_182[0] : i32 from vector<1xi32>
      %add3A_184 = arith.constant 14 : i32
      %add3A_185 = arith.addi %mul3A_14, %add3A_184 : i32
      %dma_start3A_186 = arith.constant 0 : i32
      %dma_start3A_187 = tpu.memref_slice %arg6[%add3A_185, %dma_start3A_186] : memref<512x64xf32, #tpu.memory_space<vmem>> -> memref<1x64xf32, #tpu.memory_space<vmem>>
      %dma_start3A_188 = arith.constant 0 : i32
      %dma_start3A_189 = tpu.memref_slice %arg2[%squeeze3A_183, %dma_start3A_188] : memref<1000000x64xf32, #tpu.memory_space<hbm>> -> memref<1x64xf32, #tpu.memory_space<hbm>>
      %dma_start3A_190 = arith.constant 0 : i32
      %dma_start3A_191 = tpu.memref_slice %arg6[%add3A_185, %dma_start3A_190] : memref<512x64xf32, #tpu.memory_space<vmem>> -> memref<1x64xf32, #tpu.memory_space<vmem>>
      %dma_start3A_192 = arith.constant 0 : i32
      %dma_start3A_193 = tpu.memref_slice %arg2[%squeeze3A_183, %dma_start3A_192] : memref<1000000x64xf32, #tpu.memory_space<hbm>> -> memref<1x64xf32, #tpu.memory_space<hbm>>
      tpu.enqueue_dma source(%dma_start3A_193 : memref<1x64xf32, #tpu.memory_space<hbm>>) target(%dma_start3A_191 : memref<1x64xf32, #tpu.memory_space<vmem>>) target_semaphore(%arg7 : memref<!tpu.dma_semaphore, #tpu.memory_space<semaphore_mem>>)
      %slice3A_194 = vector.extract_strided_slice %get3A_16 {offsets = [15], sizes = [1], strides = [1]} : vector<16xi32> to vector<1xi32>
      %squeeze3A_195 = vector.extract %slice3A_194[0] : i32 from vector<1xi32>
      %add3A_196 = arith.constant 15 : i32
      %add3A_197 = arith.addi %mul3A_14, %add3A_196 : i32
      %dma_start3A_198 = arith.constant 0 : i32
      %dma_start3A_199 = tpu.memref_slice %arg6[%add3A_197, %dma_start3A_198] : memref<512x64xf32, #tpu.memory_space<vmem>> -> memref<1x64xf32, #tpu.memory_space<vmem>>
      %dma_start3A_200 = arith.constant 0 : i32
      %dma_start3A_201 = tpu.memref_slice %arg2[%squeeze3A_195, %dma_start3A_200] : memref<1000000x64xf32, #tpu.memory_space<hbm>> -> memref<1x64xf32, #tpu.memory_space<hbm>>
      %dma_start3A_202 = arith.constant 0 : i32
      %dma_start3A_203 = tpu.memref_slice %arg6[%add3A_197, %dma_start3A_202] : memref<512x64xf32, #tpu.memory_space<vmem>> -> memref<1x64xf32, #tpu.memory_space<vmem>>
      %dma_start3A_204 = arith.constant 0 : i32
      %dma_start3A_205 = tpu.memref_slice %arg2[%squeeze3A_195, %dma_start3A_204] : memref<1000000x64xf32, #tpu.memory_space<hbm>> -> memref<1x64xf32, #tpu.memory_space<hbm>>
      tpu.enqueue_dma source(%dma_start3A_205 : memref<1x64xf32, #tpu.memory_space<hbm>>) target(%dma_start3A_203 : memref<1x64xf32, #tpu.memory_space<vmem>>) target_semaphore(%arg7 : memref<!tpu.dma_semaphore, #tpu.memory_space<semaphore_mem>>)
    }
    %scan3A_6 = arith.constant 32 : i32
    %dma_wait3A = arith.constant 0 : i32
    %dma_wait3A_7 = arith.constant 0 : i32
    %dma_wait3A_8 = tpu.memref_slice %arg2[%dma_wait3A, %dma_wait3A_7] : memref<1000000x64xf32, #tpu.memory_space<hbm>> -> memref<512x64xf32, #tpu.memory_space<hbm>>
    %dma_wait3A_9 = arith.constant 0 : i32
    %dma_wait3A_10 = arith.constant 0 : i32
    %dma_wait3A_11 = tpu.memref_slice %arg2[%dma_wait3A_9, %dma_wait3A_10] : memref<1000000x64xf32, #tpu.memory_space<hbm>> -> memref<512x64xf32, #tpu.memory_space<hbm>>
    tpu.wait_dma2 semaphore(%arg7 : memref<!tpu.dma_semaphore, #tpu.memory_space<semaphore_mem>>) src(%dma_wait3A_11 : memref<512x64xf32, #tpu.memory_space<hbm>>) dst(%arg6 : memref<512x64xf32, #tpu.memory_space<vmem>>)
    "tpu.region"() ({
      %run_scoped3A = tpu.sem_alloc : memref<!tpu.dma_semaphore, #tpu.memory_space<semaphore_mem>>
      %dma_start3A = arith.constant 0 : i32
      %dma_start3A_12 = tpu.memref_slice %arg4[%mul3A_2, %dma_start3A] : memref<16384x64xf32, #tpu.memory_space<hbm>> -> memref<512x64xf32, #tpu.memory_space<hbm>>
      %dma_start3A_13 = arith.constant 0 : i32
      %dma_start3A_14 = tpu.memref_slice %arg4[%mul3A_2, %dma_start3A_13] : memref<16384x64xf32, #tpu.memory_space<hbm>> -> memref<512x64xf32, #tpu.memory_space<hbm>>
      tpu.enqueue_dma source(%arg6 : memref<512x64xf32, #tpu.memory_space<vmem>>) target(%dma_start3A_14 : memref<512x64xf32, #tpu.memory_space<hbm>>) target_semaphore(%run_scoped3A : memref<!tpu.dma_semaphore, #tpu.memory_space<semaphore_mem>>)
      %dma_wait3A_15 = arith.constant 0 : i32
      %dma_wait3A_16 = tpu.memref_slice %arg4[%mul3A_2, %dma_wait3A_15] : memref<16384x64xf32, #tpu.memory_space<hbm>> -> memref<512x64xf32, #tpu.memory_space<hbm>>
      %dma_wait3A_17 = arith.constant 0 : i32
      %dma_wait3A_18 = tpu.memref_slice %arg4[%mul3A_2, %dma_wait3A_17] : memref<16384x64xf32, #tpu.memory_space<hbm>> -> memref<512x64xf32, #tpu.memory_space<hbm>>
      tpu.wait_dma2 semaphore(%run_scoped3A : memref<!tpu.dma_semaphore, #tpu.memory_space<semaphore_mem>>) src(%arg6 : memref<512x64xf32, #tpu.memory_space<vmem>>) dst(%dma_wait3A_18 : memref<512x64xf32, #tpu.memory_space<hbm>>)
      tpu.yield
    }) : () -> ()
    return
  }
}

module attributes {stable_mosaic.version = 14 : i64} {
  func.func @_tc_body(%arg0: memref<4x4096x64xf32, #tpu.memory_space<vmem>>, %arg1: memref<192x16xf32, #tpu.memory_space<vmem>>, %arg2: memref<1x16xf32, #tpu.memory_space<vmem>>, %arg3: memref<16x16xf32, #tpu.memory_space<vmem>>, %arg4: memref<1x16xf32, #tpu.memory_space<vmem>>, %arg5: memref<16x1xf32, #tpu.memory_space<vmem>>, %arg6: memref<1x1xf32, #tpu.memory_space<vmem>>, %arg7: memref<4096x1xf32, #tpu.memory_space<vmem>>, %arg8: memref<4096x1xf32, #tpu.memory_space<vmem>>) attributes {dimension_semantics = [], scalar_prefetch = 0 : i64, scratch_operands = 0 : i64, tpu.core_type = #tpu.core_type<tc>} {
    %get3A = arith.constant 0 : index
    %get3A_0 = arith.constant 0 : index
    %get3A_1 = arith.constant 0 : index
    %get3A_2 = vector.load %arg0[%get3A, %get3A_0, %get3A_1] : memref<4x4096x64xf32, #tpu.memory_space<vmem>>, vector<1x4096x64xf32>
    %get3A_3 = vector.shape_cast %get3A_2 : vector<1x4096x64xf32> to vector<4096x64xf32>
    %get3A_4 = arith.constant 1 : index
    %get3A_5 = arith.constant 0 : index
    %get3A_6 = arith.constant 0 : index
    %get3A_7 = vector.load %arg0[%get3A_4, %get3A_5, %get3A_6] : memref<4x4096x64xf32, #tpu.memory_space<vmem>>, vector<1x4096x64xf32>
    %get3A_8 = vector.shape_cast %get3A_7 : vector<1x4096x64xf32> to vector<4096x64xf32>
    %get3A_9 = arith.constant 2 : index
    %get3A_10 = arith.constant 0 : index
    %get3A_11 = arith.constant 0 : index
    %get3A_12 = vector.load %arg0[%get3A_9, %get3A_10, %get3A_11] : memref<4x4096x64xf32, #tpu.memory_space<vmem>>, vector<1x4096x64xf32>
    %get3A_13 = vector.shape_cast %get3A_12 : vector<1x4096x64xf32> to vector<4096x64xf32>
    %get3A_14 = arith.constant 3 : index
    %get3A_15 = arith.constant 0 : index
    %get3A_16 = arith.constant 0 : index
    %get3A_17 = vector.load %arg0[%get3A_14, %get3A_15, %get3A_16] : memref<4x4096x64xf32, #tpu.memory_space<vmem>>, vector<1x4096x64xf32>
    %get3A_18 = vector.shape_cast %get3A_17 : vector<1x4096x64xf32> to vector<4096x64xf32>
    %get3A_19 = arith.constant 0 : index
    %get3A_20 = arith.constant 0 : index
    %get3A_21 = vector.load %arg1[%get3A_19, %get3A_20] : memref<192x16xf32, #tpu.memory_space<vmem>>, vector<192x16xf32>
    %slice3A = vector.extract_strided_slice %get3A_21 {offsets = [0, 0], sizes = [64, 16], strides = [1, 1]} : vector<192x16xf32> to vector<64x16xf32>
    %dot_general3A = arith.constant dense<0.000000e+00> : vector<4096x16xf32>
    %dot_general3A_22 = tpu.matmul %get3A_3, %slice3A, %dot_general3A {dimension_numbers = #tpu.dot_dimension_numbers<[1], [0], [0], [1], [0, 0, 1, 1], [], []>, precision = #tpu.contract_precision<fp32>, transpose_lhs_hint = false} : vector<4096x64xf32>, vector<64x16xf32>, vector<4096x16xf32> -> vector<4096x16xf32>
    %slice3A_23 = vector.extract_strided_slice %get3A_21 {offsets = [128, 0], sizes = [64, 16], strides = [1, 1]} : vector<192x16xf32> to vector<64x16xf32>
    %dot_general3A_24 = arith.constant dense<0.000000e+00> : vector<4096x16xf32>
    %dot_general3A_25 = tpu.matmul %get3A_18, %slice3A_23, %dot_general3A_24 {dimension_numbers = #tpu.dot_dimension_numbers<[1], [0], [0], [1], [0, 0, 1, 1], [], []>, precision = #tpu.contract_precision<fp32>, transpose_lhs_hint = false} : vector<4096x64xf32>, vector<64x16xf32>, vector<4096x16xf32> -> vector<4096x16xf32>
    %add3A = arith.addf %dot_general3A_22, %dot_general3A_25 : vector<4096x16xf32>
    %get3A_26 = arith.constant 0 : index
    %get3A_27 = arith.constant 0 : index
    %get3A_28 = vector.load %arg2[%get3A_26, %get3A_27] : memref<1x16xf32, #tpu.memory_space<vmem>>, vector<1x16xf32>
    %add3A_29 = vector.broadcast %get3A_28 : vector<1x16xf32> to vector<4096x16xf32>
    %add3A_30 = arith.addf %add3A, %add3A_29 : vector<4096x16xf32>
    %slice3A_31 = vector.extract_strided_slice %get3A_21 {offsets = [64, 0], sizes = [64, 16], strides = [1, 1]} : vector<192x16xf32> to vector<64x16xf32>
    %dot_general3A_32 = arith.constant dense<0.000000e+00> : vector<4096x16xf32>
    %dot_general3A_33 = tpu.matmul %get3A_8, %slice3A_31, %dot_general3A_32 {dimension_numbers = #tpu.dot_dimension_numbers<[1], [0], [0], [1], [0, 0, 1, 1], [], []>, precision = #tpu.contract_precision<fp32>, transpose_lhs_hint = false} : vector<4096x64xf32>, vector<64x16xf32>, vector<4096x16xf32> -> vector<4096x16xf32>
    %add3A_34 = arith.addf %add3A_30, %dot_general3A_33 : vector<4096x16xf32>
    %max3A = arith.constant 0.000000e+00 : f32
    %max3A_35 = vector.broadcast %max3A : f32 to vector<4096x16xf32>
    %max3A_36 = arith.maximumf %add3A_34, %max3A_35 : vector<4096x16xf32>
    %dot_general3A_37 = arith.constant dense<0.000000e+00> : vector<4096x16xf32>
    %dot_general3A_38 = tpu.matmul %get3A_13, %slice3A_31, %dot_general3A_37 {dimension_numbers = #tpu.dot_dimension_numbers<[1], [0], [0], [1], [0, 0, 1, 1], [], []>, precision = #tpu.contract_precision<fp32>, transpose_lhs_hint = false} : vector<4096x64xf32>, vector<64x16xf32>, vector<4096x16xf32> -> vector<4096x16xf32>
    %add3A_39 = arith.addf %add3A_30, %dot_general3A_38 : vector<4096x16xf32>
    %max3A_40 = arith.constant 0.000000e+00 : f32
    %max3A_41 = vector.broadcast %max3A_40 : f32 to vector<4096x16xf32>
    %max3A_42 = arith.maximumf %add3A_39, %max3A_41 : vector<4096x16xf32>
    %get3A_43 = arith.constant 0 : index
    %get3A_44 = arith.constant 0 : index
    %get3A_45 = vector.load %arg3[%get3A_43, %get3A_44] : memref<16x16xf32, #tpu.memory_space<vmem>>, vector<16x16xf32>
    %get3A_46 = arith.constant 0 : index
    %get3A_47 = arith.constant 0 : index
    %get3A_48 = vector.load %arg4[%get3A_46, %get3A_47] : memref<1x16xf32, #tpu.memory_space<vmem>>, vector<1x16xf32>
    %dot_general3A_49 = arith.constant dense<0.000000e+00> : vector<4096x16xf32>
    %dot_general3A_50 = tpu.matmul %max3A_36, %get3A_45, %dot_general3A_49 {dimension_numbers = #tpu.dot_dimension_numbers<[1], [0], [0], [1], [0, 0, 1, 1], [], []>, precision = #tpu.contract_precision<fp32>, transpose_lhs_hint = false} : vector<4096x16xf32>, vector<16x16xf32>, vector<4096x16xf32> -> vector<4096x16xf32>
    %add3A_51 = vector.broadcast %get3A_48 : vector<1x16xf32> to vector<4096x16xf32>
    %add3A_52 = arith.addf %dot_general3A_50, %add3A_51 : vector<4096x16xf32>
    %max3A_53 = arith.constant 0.000000e+00 : f32
    %max3A_54 = vector.broadcast %max3A_53 : f32 to vector<4096x16xf32>
    %max3A_55 = arith.maximumf %add3A_52, %max3A_54 : vector<4096x16xf32>
    %dot_general3A_56 = arith.constant dense<0.000000e+00> : vector<4096x16xf32>
    %dot_general3A_57 = tpu.matmul %max3A_42, %get3A_45, %dot_general3A_56 {dimension_numbers = #tpu.dot_dimension_numbers<[1], [0], [0], [1], [0, 0, 1, 1], [], []>, precision = #tpu.contract_precision<fp32>, transpose_lhs_hint = false} : vector<4096x16xf32>, vector<16x16xf32>, vector<4096x16xf32> -> vector<4096x16xf32>
    %add3A_58 = vector.broadcast %get3A_48 : vector<1x16xf32> to vector<4096x16xf32>
    %add3A_59 = arith.addf %dot_general3A_57, %add3A_58 : vector<4096x16xf32>
    %max3A_60 = arith.constant 0.000000e+00 : f32
    %max3A_61 = vector.broadcast %max3A_60 : f32 to vector<4096x16xf32>
    %max3A_62 = arith.maximumf %add3A_59, %max3A_61 : vector<4096x16xf32>
    %get3A_63 = arith.constant 0 : index
    %get3A_64 = arith.constant 0 : index
    %get3A_65 = vector.load %arg5[%get3A_63, %get3A_64] : memref<16x1xf32, #tpu.memory_space<vmem>>, vector<16x1xf32>
    %mul3A = arith.mulf %get3A_3, %get3A_18 : vector<4096x64xf32>
    %mul3A_66 = arith.mulf %mul3A, %get3A_8 : vector<4096x64xf32>
    %reduce_sum3A = arith.constant dense<0.000000e+00> : vector<4096xf32>
    %reduce_sum3A_67 = vector.multi_reduction <add>, %mul3A_66, %reduce_sum3A [1] : vector<4096x64xf32> to vector<4096xf32>
    %broadcast_in_dim3A = vector.shape_cast %reduce_sum3A_67 : vector<4096xf32> to vector<4096x1xf32>
    %mul3A_68 = arith.mulf %mul3A, %get3A_13 : vector<4096x64xf32>
    %reduce_sum3A_69 = arith.constant dense<0.000000e+00> : vector<4096xf32>
    %reduce_sum3A_70 = vector.multi_reduction <add>, %mul3A_68, %reduce_sum3A_69 [1] : vector<4096x64xf32> to vector<4096xf32>
    %broadcast_in_dim3A_71 = vector.shape_cast %reduce_sum3A_70 : vector<4096xf32> to vector<4096x1xf32>
    %get3A_72 = arith.constant 0 : index
    %get3A_73 = arith.constant 0 : index
    %get3A_74 = vector.load %arg6[%get3A_72, %get3A_73] : memref<1x1xf32, #tpu.memory_space<vmem>>, vector<1x1xf32>
    %mul3A_75 = arith.constant 2.000000e+00 : f32
    %mul3A_76 = vector.broadcast %mul3A_75 : f32 to vector<4096x1xf32>
    %mul3A_77 = arith.mulf %mul3A_76, %broadcast_in_dim3A : vector<4096x1xf32>
    %dot_general3A_78 = arith.constant dense<0.000000e+00> : vector<4096x1xf32>
    %dot_general3A_79 = tpu.matmul %max3A_55, %get3A_65, %dot_general3A_78 {dimension_numbers = #tpu.dot_dimension_numbers<[1], [0], [0], [1], [0, 0, 1, 1], [], []>, precision = #tpu.contract_precision<fp32>, transpose_lhs_hint = false} : vector<4096x16xf32>, vector<16x1xf32>, vector<4096x1xf32> -> vector<4096x1xf32>
    %add3A_80 = arith.addf %mul3A_77, %dot_general3A_79 : vector<4096x1xf32>
    %add3A_81 = vector.broadcast %get3A_74 : vector<1x1xf32> to vector<4096x1xf32>
    %add3A_82 = arith.addf %add3A_80, %add3A_81 : vector<4096x1xf32>
    %swap3A = arith.constant 0 : index
    %swap3A_83 = arith.constant 0 : index
    %swap3A_84 = vector.load %arg7[%swap3A, %swap3A_83] : memref<4096x1xf32, #tpu.memory_space<vmem>>, vector<4096x1xf32>
    tpu.vector_store %arg7[%swap3A, %swap3A_83], %add3A_82 {strides = array<i32>} : memref<4096x1xf32, #tpu.memory_space<vmem>>, vector<4096x1xf32>,
    %mul3A_85 = arith.constant 2.000000e+00 : f32
    %mul3A_86 = vector.broadcast %mul3A_85 : f32 to vector<4096x1xf32>
    %mul3A_87 = arith.mulf %mul3A_86, %broadcast_in_dim3A_71 : vector<4096x1xf32>
    %dot_general3A_88 = arith.constant dense<0.000000e+00> : vector<4096x1xf32>
    %dot_general3A_89 = tpu.matmul %max3A_62, %get3A_65, %dot_general3A_88 {dimension_numbers = #tpu.dot_dimension_numbers<[1], [0], [0], [1], [0, 0, 1, 1], [], []>, precision = #tpu.contract_precision<fp32>, transpose_lhs_hint = false} : vector<4096x16xf32>, vector<16x1xf32>, vector<4096x1xf32> -> vector<4096x1xf32>
    %add3A_90 = arith.addf %mul3A_87, %dot_general3A_89 : vector<4096x1xf32>
    %add3A_91 = vector.broadcast %get3A_74 : vector<1x1xf32> to vector<4096x1xf32>
    %add3A_92 = arith.addf %add3A_90, %add3A_91 : vector<4096x1xf32>
    %swap3A_93 = arith.constant 0 : index
    %swap3A_94 = arith.constant 0 : index
    %swap3A_95 = vector.load %arg8[%swap3A_93, %swap3A_94] : memref<4096x1xf32, #tpu.memory_space<vmem>>, vector<4096x1xf32>
    tpu.vector_store %arg8[%swap3A_93, %swap3A_94], %add3A_92 {strides = array<i32>} : memref<4096x1xf32, #tpu.memory_space<vmem>>, vector<4096x1xf32>,
    return
  }
}

</mosaic_0001>

<sc_bundles>
// kernel: kernel.4.cloned.1.call-start
scs
__scs_entry_jumppad:
0x0: {  	(pc) =	sbr.rel $0x88, $3  }
0x1: {  	(tag) =	ssettag $0x0;
	lr =	simm.s32 $0x1  }
0x2: {  	[smem:$0x3F95] =	sst lr;
	_ =	strace $0xD0000000  }
0x3: {  	_ = 	snop  }
0x4: {  	_ = 	snop  }
0x5: {  	_ = 	snop  }
0x6: {  	_ = 	snop  }
0x7: {  	_ = 	snop  }
__scs_overlays_trampoline_lowered:
0x8: {  	[smem:$0x3FA4] =	sst s0  }
0x9: {  	[smem:$0x3FA5] =	sst s1  }
0xa: {  	[smem:$0x3FA6] =	sst s2  }
0xb: {  	[smem:$0x3FA7] =	sst s3  }
0xc: {  	[smem:$0x3FA8] =	sst s4  }
0xd: {  	[smem:$0x3FA9] =	sst s5  }
0xe: {  	[smem:$0x3FAA] =	sst s6  }
0xf: {  	[smem:$0x3FAB] =	sst s7  }
0x10: {  	[smem:$0x3FAC] =	sst s8  }
0x11: {  	[smem:$0x3FAD] =	sst s9;
	s0 =	simm.s32 @!p0 $0x0  }
0x12: {  	s1 =	sld [smem:$0x3F93];
	s0 =	simm.s32 @p0 $0x1  }
0x13: {  	[smem:$0x3FAE] =	sst s0;
	s0 =	simm.s32 @!p1 $0x0  }
0x14: {  	s2 =	sld [smem:$0x3F92];
	s0 =	simm.s32 @p1 $0x1  }
0x15: {  	[smem:$0x3FAF] =	sst s0;
	s0 =	simm.s32 @!p2 $0x0  }
0x16: {  	s3 =	sld [smem:$0x3FDB];
	s0 =	simm.s32 @p2 $0x1  }
0x17: {  	s4 =	simm.s32 $0x1BF5;
	[smem:$0x3FB1] =	sst s0  }
0x18: {  	s0 =	sld [smem:$0x3F94];
	_ =	swait.ge [sflag:s4], $0x0  }
0x19: {  	s7 =	sld [smem:$0x3F95]  }
0x1a: {  	s8 =	sadd.s32 $0xFFFFE003, lr  }
0x1b: {  	s9 =	sadd.s32 $0xFFFFFEF7, lr;
	s5 =	simm.s32 $0xFFFFFFFF;
	p2 =	slt.u32 s8, $0xFFFFF086  }
0x1c: {  	p1 =	slt.u32 s9, $0xF7A;
	s5 =	simm.s32 @!p2 $0x0  }
0x1d: {  	s5 =	simm.s32 @p1 $0x1;
	p0 =	seq.s32 s7, s2  }
0x1e: {  	s7 =	smul.u32 @!p0 $0xF7A, s2;
	p2 =	seq.s32 @!p0 s5, $0x0  }
0x1f: {  	s9 =	smul.u32 $0xF7A, s1;
	s8 =	simm.s32 @!p0 $0x1BF5;
	p2 =	por !p2, p0  }
0x20: {  	[sflag:s8] =	ssyncset.s32 @!p0 $0xFFFFF086;
	s6 =	sadd.s32 @!p0 s3, s7;
	s7 =	simm.s32 @!p0 $0x108  }
0x21: {  	s3 =	sadd.s32 s3, s9;
	s6 =	sadd.s32 @!p0 $0x88, s6;
	s7 =	simm.s32 @p2 $0x1082  }
0x22: {  	[simem:s7], [sflag:s8] =	dma.local @!p0 [hbm:s6], $0xF7A  }
0x23: {  	s9 =	sor.u32 $0xD0000000, s2;
	s6 =	simm.s32 $0x108;
	_ =	swait.ge @!p0 [sflag:s8], $0x0  }
0x24: {  	s3 =	sadd.s32 $0x88, s3;
	s6 =	simm.s32 @!p1 $0x1082;
	[sflag:s4] =	ssyncset.s32 $0xFFFFF086  }
0x25: {  	[simem:s6], [sflag:s4] =	dma.local [hbm:s3], $0xF7A  }
0x26: {  	[smem:$0x3F95] =	sst s1;
	(tag) =	ssettag s2;
	_ =	strace s9  }
0x27: {  	s1 =	sld [smem:$0x3FA5]  }
0x28: {  	s2 =	sld [smem:$0x3FA6]  }
0x29: {  	s4 =	sld [smem:$0x3FA8]  }
0x2a: {  	p0 =	seq.s32 s5, $0x0;
	s5 =	sld [smem:$0x3FA9]  }
0x2b: {  	s6 =	sld [smem:$0x3FAA]  }
0x2c: {  	s7 =	sld [smem:$0x3FAB]  }
0x2d: {  	s3 =	simm.s32 $0x108;
	s8 =	sld [smem:$0x3FAC]  }
0x2e: {  	s3 =	simm.s32 @!p0 $0x1082;
	s9 =	sld [smem:$0x3FAD]  }
0x2f: {  	lr =	sadd.s32 s0, s3;
	s0 =	sld [smem:$0x3FA4]  }
0x30: {  	s3 =	sld [smem:$0x3FA7]  }
0x31: {  	[smem:$0x3FB0] =	sst s10  }
0x32: {  	s10 =	sld [smem:$0x3FAE];
	_ =	sdelay $0x3  }
0x33: {  	p0 =	seq.s32 s10, $0x1;
	s10 =	sld [smem:$0x3FB0];
	_ =	sdelay $0x3  }
0x34: {  	[smem:$0x3FB0] =	sst s10  }
0x35: {  	s10 =	sld [smem:$0x3FAF];
	_ =	sdelay $0x3  }
0x36: {  	p1 =	seq.s32 s10, $0x1;
	s10 =	sld [smem:$0x3FB0];
	_ =	sdelay $0x3  }
0x37: {  	[smem:$0x3FB0] =	sst s10  }
0x38: {  	s10 =	sld [smem:$0x3FB1]  }
0x39: {  	_ = 	snop;
	(pc) =	sbr.ind lr, $3  }
0x3a: {  	_ = 	snop  }
0x3b: {  	_ = 	snop  }
0x3c: {  	p2 =	seq.s32 s10, $0x1;
	s10 =	sld [smem:$0x3FB0]  }
0x3d: {  	_ =	shalt  }
0x3e: {  	_ =	shalt  }
0x3f: {  	_ =	shalt  }
0x40: {  	_ =	shalt  }
0x41: {  	_ =	shalt  }
0x42: {  	_ =	shalt  }
0x43: {  	_ =	shalt  }
0x44: {  	_ =	shalt  }
0x45: {  	_ =	shalt  }
0x46: {  	_ =	shalt  }
0x47: {  	_ =	shalt  }
0x48: {  	_ =	shalt  }
0x49: {  	_ =	shalt  }
0x4a: {  	_ =	shalt  }
0x4b: {  	_ =	shalt  }
0x4c: {  	_ =	shalt  }
0x4d: {  	_ =	shalt  }
0x4e: {  	_ =	shalt  }
0x4f: {  	_ =	shalt  }
0x50: {  	_ =	shalt  }
0x51: {  	_ =	shalt  }
0x52: {  	_ =	shalt  }
0x53: {  	_ =	shalt  }
0x54: {  	_ =	shalt  }
0x55: {  	_ =	shalt  }
0x56: {  	_ =	shalt  }
0x57: {  	_ =	shalt  }
0x58: {  	_ =	shalt  }
0x59: {  	_ =	shalt  }
0x5a: {  	_ =	shalt  }
0x5b: {  	_ =	shalt  }
0x5c: {  	_ =	shalt  }
0x5d: {  	_ =	shalt  }
0x5e: {  	_ =	shalt  }
0x5f: {  	_ =	shalt  }
0x60: {  	_ =	shalt  }
0x61: {  	_ =	shalt  }
0x62: {  	_ =	shalt  }
0x63: {  	_ =	shalt  }
0x64: {  	_ =	shalt  }
0x65: {  	_ =	shalt  }
0x66: {  	_ =	shalt  }
0x67: {  	_ =	shalt  }
0x68: {  	_ =	shalt  }
0x69: {  	_ =	shalt  }
0x6a: {  	_ =	shalt  }
0x6b: {  	_ =	shalt  }
0x6c: {  	_ =	shalt  }
0x6d: {  	_ =	shalt  }
0x6e: {  	_ =	shalt  }
0x6f: {  	_ =	shalt  }
0x70: {  	_ =	shalt  }
0x71: {  	_ =	shalt  }
0x72: {  	_ =	shalt  }
0x73: {  	_ =	shalt  }
0x74: {  	_ =	shalt  }
0x75: {  	_ =	shalt  }
0x76: {  	_ =	shalt  }
0x77: {  	_ =	shalt  }
0x78: {  	_ =	shalt  }
0x79: {  	_ =	shalt  }
0x7a: {  	_ =	shalt  }
0x7b: {  	_ =	shalt  }
0x7c: {  	_ =	shalt  }
0x7d: {  	_ =	shalt  }
0x7e: {  	_ =	shalt  }
0x7f: {  	_ =	shalt  }
0x80: {  	_ =	shalt  }
0x81: {  	_ =	shalt  }
0x82: {  	_ =	shalt  }
0x83: {  	_ =	shalt  }
0x84: {  	_ =	shalt  }
0x85: {  	_ =	shalt  }
0x86: {  	_ =	shalt  }
0x87: {  	_ =	shalt  }
.Lfunc_end0:
.L_simem_size_0:
called_computation_lowered:
.L_overlay_start_0:
0x88: {  	s2 =	sld [smem:$0x3FD9]  }
0x89: {  	s3 =	sld [smem:$0x3FFE];
	_ =	sdelay $0x1  }
0x8a: {  	s1 =	srdreg.scid  }
0x8b: {  	s0 =	sand.u32 $0x1, s1  }
0x8c: {  	s16 =	sshll.u32 s0, $0xA;
	s2 =	sadd.s32 s3, s2  }
0x8d: {  	s2 =	sadd.s32 s2, s16  }
0x8e: {  	[smem:$0x3FBC] =	sst s2  }
0x8f: {  	_ = 	snop  }
0x90: {  	(tm) =	ssettm $0x1  }
0x91: {  	s17 =	sld [smem:$0x3FFB];
	_ =	sdelay $0x3  }
0x92: {  	_ =	strace s17  }
0x93: {  	s2 =	sld [smem:$0x3FFC];
	_ =	sdelay $0x3  }
0x94: {  	_ =	strace s2  }
0x95: {  	s2 =	sld [smem:$0x3FFD];
	_ =	sdelay $0x3  }
0x96: {  	_ =	strace s2  }
0x97: {  	_ =	strace $0x8FFFFFFF  }
0x98: {  	s18 =	sld [smem:$0x3FDB];
	_ =	sdelay $0x1  }
0x99: {  	s19 =	simm.s32 $_scs_section_size  }
0x9a: {  	s4 =	simm.s32 $_size__tile_overlayer_lowered;
	s5 =	simm.s32 $_tile_overlayer_lowered  }
0x9b: {  	s22 =	simm.s32 $0x1BFF;
	s21 =	sshll.u32 s5, $0x1;
	s2 =	sadd.s32 s19, s18  }
0x9c: {  	s6 =	simm.s32 $0x0;
	s20 =	sshll.u32 s4, $0x1;
	s4 =	sadd.s32 s21, s2  }
0x9d: {  	[timem:s6], [sflag:s22] =	dma.local [hbm:s4], s20  }
0x9e: {  	_ =	swait.ge [sflag:s22], s20  }
0x9f: {  	s3 =	ssub.s32 $0x0, s20;
	[sflag:s22] =	ssyncset.done $0x0  }
0xa0: {  	[sflag:s22] =	ssyncadd.s32 s3;
	_ =	sdelay $0x1  }
0xa1: {  	s23 =	simm.s32 $0x1B8B  }
0xa2: {  	_ =	swait.ge [sflag:s23], $0x1  }
0xa3: {  	[sflag:s23] =	ssyncset.done $0x0  }
0xa4: {  	s25 =	simm.s32 $0x1B8E;
	s24 =	sld [smem:$0x3FFE];
	[sflag:s23] =	ssyncadd.s32 $0xFFFFFFFF  }
0xa5: {  	s26 =	simm.s32 $execute0_lowered;
	[smem:$0x3FD2] =	sst s25  }
0xa6: {  	s4 =	sshll.u32 s26, $0x1;
	_ =	strace $0x80000046;
	[dreg:$0x1] =	wrdreg $0xFFFFFFFF  }
0xa7: {  	s28 =	simm.s32 $_size_execute0_lowered;
	s2 =	sadd.s32 s2, s4;
	[dreg:$0x0] =	wrdreg $0x0  }
0xa8: {  	s4 =	sshll.u32 s28, $0x1;
	[dreg:$0x2] =	wrdreg s2  }
0xa9: {  	[dreg:$0x3] =	wrdreg s4  }
0xaa: {  	[dreg:$0x4] =	wrdreg $0xC0  }
0xab: {  	_ =	task [dreg:s6], $0x5FFFF  }
0xac: {  	[dreg:$0x1] =	wrdreg $0xFFFFFFFF  }
0xad: {  	[dreg:$0x0] =	wrdreg $0x60  }
0xae: {  	[dreg:$0x2] =	wrdreg s24  }
0xaf: {  	[dreg:$0x3] =	wrdreg $0x9  }
0xb0: {  	_ =	task.clear_ibuf [dreg:s6], $0x4FFFF;
	_ =	strace $0x90000046  }
0xb1: {  	s29 =	simm.s32 $0x9;
	_ =	strace $0x80000048  }
0xb2: {  	_ =	swait.ge [sflag:s29], $0x1  }
0xb3: {  	[sflag:s29] =	ssyncadd.s32 $0xFFFFFFFF  }
0xb4: {  	_ =	strace $0x90000048  }
0xb5: {  	_ =	sfence  }
0xb6: {  	s30 =	sld [smem:$0x0];
	_ =	sdelay $0x2  }
0xb7: {  	s31 =	sshll.u32 s1, $0xD;
	s1 =	sshrl.u32 s1, $0x2  }
0xb8: {  	s3 =	sand.u32 $0x4000, s31;
	s1 =	sadd.s32 s1, s30  }
0xb9: {  	s0 =	sor.u32 s3, s0;
	s1 =	sshll.u32 s1, $0x11  }
0xba: {  	s0 =	sor.u32 s1, s0  }
0xbb: {  	s0 =	sadd.s32 $0x8F2B, s0  }
0xbc: {  	[sflag:s0] =	ssyncadd.remote.s32 $0x1  }
0xbd: {  	_ =	sfence.sel $0xFFFF  }
0xbe: {  	[dreg:$0x0] =	wrdreg $0xFFFFFFFF;
	(pc) =	sbr.abs _section_cstart, $3  }
0xbf: {  	[dreg:$0x1] =	wrdreg $0xFFFFFFFF  }
0xc0: {  	_ =	task.clear_ibuf [dreg:s6], $0x2FFFF;
	_ =	strace $0x9FFFFFFF  }
0xc1: {  	(tm) =	ssettm $0x7FFFFFFF  }
tec
execute0_lowered:
.L_overlay_start_1:
0x0: {  	(tag) =	ssettag $0x1  }
0x1: {  	s4 =	rddreg [dreg:$0x0]  }
0x2: {  	s0 =	rddreg [dreg:$0x1]  }
0x3: {  	s3 =	srdreg.scid;
	s2 =	simm.s32 $0x0;
	s1 =	stileid.u32  }
0x4: {  	s9 =	simm.s32 $0x200;
	s10 =	simm.s32 $0x0;
	s5 =	sand.u32 $0x1, s3  }
0x5: {  	[smem:$0x7FF] =	sst s2;
	s31 =	sshll.u32 s1, $0xA;
	s6 =	sshll.u32 s5, $0x9  }
0x6: {  	s3 =	sadd.s32 $0x1000, s4;
	_ =	strace $0x80000047;
	s6 =	sor.u32 s6, s31  }
0x7: {  	s5 =	ssub.s32 $0x2, s5;
	s7 =	sshrl.u32 s6, $0x3;
	s6 =	sshll.u32 s6, $0x4  }
0x8: {  	s8 =	sshrl.u32 s5, $0x1;
	s7 =	sadd.s32 s7, s4;
	s6 =	sadd.s32 s6, s4  }
0x9: {  	s8 =	ssub.s32 s5, s8;
	s4 =	sadd.s32 $0xF43400, s7;
	s5 =	sadd.s32 $0xF43C00, s6  }
0xa: {  	s6 =	smax.u32 s8, $0x1;
	s7 =	simm.s32 $0x2;
	s8 =	simm.s32 $0x1  }
.LBB2_1:
0xb: {  	[tilespmem:s2], [sflag:$0x2] =	stream.linear.gather [hbm4b:s4+s2], $0x200, $0x38;
	[tilespmem:$0x10200] =	vst v63  }
0xc: {  	_ =	swait.ge [sflag:s7], $0x200  }
0xd: {  	[sflag:s7] =	ssyncset.done $0x0  }
0xe: {  	[sflag:s7] =	ssyncadd.s32 $0xFFFFFE00  }
0xf: {  	v0 =	vld [tilespmem:s2+$0x0];
	_ =	sdelay $0x4  }
0x10: {  	v0 =	vshll.u32 v0, $0x4  }
0x11: {  	(v2sf) =	vpush v0, $0x0  }
0x12: {  	(v2sf) =	vpush v0, $0x1  }
0x13: {  	(v2sf) =	vpush v0, $0x2;
	_ =	sdelay $0x1  }
0x14: {  	(v2sf) =	vpush v0, $0x4;
	_ =	sdelay $0x1  }
0x15: {  	(v2sf) =	vpush v0, $0x3  }
0x16: {  	(v2sf) =	vpush v0, $0x5  }
0x17: {  	s12 =	simm.s32 $0x2000;
	s11 =	simm.s32 $0x0;
	s13 =	simm.s32 $0x0;
	(v2sf) =	vpush v0, $0x6  }
.LBB2_2:
0x18: {  	p0 =	sne.s32 s12, $0x3E000  }
0x19: {  	s23 =	sadd.s32 $0x280, s11;
	s17 =	sadd.s32 $0x780, s11;
	s14 =	smov.u32 s12  }
0x1a: {  	s12 =	sadd.s32 $0x2000, s12;
	s20 =	sadd.s32 $0x580, s11;
	s15 =	sadd.s32 $0x800, s11;
	(v2sf) =	vpush v0, $0x7  }
0x1b: {  	s22 =	sadd.s32 $0x480, s11;
	s19 =	sadd.s32 $0x600, s11;
	s16 =	sadd.s32 $0x880, s11  }
0x1c: {  	s24 =	sadd.s32 $0x200, s11;
	s25 =	sadd.s32 $0x400, s11;
	(v2sf) =	vpush v0, $0x8  }
0x1d: {  	s26 =	sadd.s32 $0x500, s11;
	s13 =	sadd.s32 $0x10, s13  }
0x1e: {  	s28 =	sadd.s32 $0x300, s11;
	s18 =	sadd.s32 $0x700, s11;
	s21 =	spop (v2sf);
	(v2sf) =	vpush v0, $0x9  }
0x1f: {  	s29 =	sand.u32 $0x1FFFFFF0, s21;
	s21 =	sadd.s32 $0x680, s11;
	s30 =	spop (v2sf)  }
0x20: {  	s29 =	sadd.s32 s3, s29;
	s30 =	sand.u32 $0x1FFFFFF0, s30;
	s31 =	spop (v2sf);
	(v2sf) =	vpush v0, $0xA  }
0x21: {  	[tilespmem:s24], [sflag:$0x1] =	stream.linear.gather [hbm4b:s29+s2], $0x80, $0x38;
	[tilespmem:$0x10200] =	vst v63  }
0x22: {  	s24 =	sadd.s32 s3, s30;
	s29 =	sadd.s32 $0x380, s11;
	s30 =	spop (v2sf);
	(v2sf) =	vpush v0, $0xB  }
0x23: {  	[tilespmem:s23], [sflag:$0x1] =	stream.linear.gather [hbm4b:s24+s2], $0x80, $0x38;
	[tilespmem:$0x10200] =	vst v63  }
0x24: {  	s23 =	sand.u32 $0x1FFFFFF0, s31;
	s24 =	sand.u32 $0x1FFFFFF0, s30;
	s30 =	spop (v2sf);
	(v2sf) =	vpush v0, $0xC  }
0x25: {  	s23 =	sadd.s32 s3, s23;
	s30 =	sand.u32 $0x1FFFFFF0, s30;
	s31 =	spop (v2sf)  }
0x26: {  	[tilespmem:s28], [sflag:$0x1] =	stream.linear.gather [hbm4b:s23+s2], $0x80, $0x38;
	(v2sf) =	vpush v0, $0xD;
	[tilespmem:$0x10200] =	vst v63  }
0x27: {  	s23 =	sadd.s32 s3, s30;
	s28 =	sand.u32 $0x1FFFFFF0, s31;
	s30 =	spop (v2sf)  }
0x28: {  	[tilespmem:s29], [sflag:$0x1] =	stream.linear.gather [hbm4b:s23+s2], $0x80, $0x38;
	(v2sf) =	vpush v0, $0xE;
	[tilespmem:$0x10200] =	vst v63  }
0x29: {  	s23 =	sadd.s32 s3, s24;
	s24 =	sand.u32 $0x1FFFFFF0, s30;
	s29 =	spop (v2sf)  }
0x2a: {  	[tilespmem:s25], [sflag:$0x1] =	stream.linear.gather [hbm4b:s23+s2], $0x80, $0x38;
	(v2sf) =	vpush v0, $0xF;
	[tilespmem:$0x10200] =	vst v63  }
0x2b: {  	s23 =	sadd.s32 s3, s28;
	s25 =	sand.u32 $0x1FFFFFF0, s29;
	s28 =	spop (v2sf)  }
0x2c: {  	[tilespmem:s22], [sflag:$0x1] =	stream.linear.gather [hbm4b:s23+s2], $0x80, $0x38;
	[tilespmem:$0x10200] =	vst v63  }
0x2d: {  	s22 =	sadd.s32 s3, s24;
	s23 =	sand.u32 $0x1FFFFFF0, s28;
	s24 =	spop (v2sf)  }
0x2e: {  	[tilespmem:s26], [sflag:$0x1] =	stream.linear.gather [hbm4b:s22+s2], $0x80, $0x38;
	[tilespmem:$0x10200] =	vst v63  }
0x2f: {  	s22 =	sadd.s32 s3, s25;
	s24 =	sand.u32 $0x1FFFFFF0, s24;
	s25 =	spop (v2sf)  }
0x30: {  	[tilespmem:s20], [sflag:$0x1] =	stream.linear.gather [hbm4b:s22+s2], $0x80, $0x38;
	[tilespmem:$0x10200] =	vst v63  }
0x31: {  	s20 =	sadd.s32 s3, s23;
	s22 =	sand.u32 $0x1FFFFFF0, s25;
	s23 =	spop (v2sf)  }
0x32: {  	[tilespmem:s19], [sflag:$0x1] =	stream.linear.gather [hbm4b:s20+s2], $0x80, $0x38;
	[tilespmem:$0x10200] =	vst v63  }
0x33: {  	s19 =	sadd.s32 s3, s24;
	s20 =	sand.u32 $0x1FFFFFF0, s23;
	s23 =	spop (v2sf)  }
0x34: {  	[tilespmem:s21], [sflag:$0x1] =	stream.linear.gather [hbm4b:s19+s2], $0x80, $0x38;
	[tilespmem:$0x10200] =	vst v63  }
0x35: {  	s19 =	sadd.s32 s3, s22;
	s21 =	sand.u32 $0x1FFFFFF0, s23;
	s22 =	spop (v2sf)  }
0x36: {  	[tilespmem:s18], [sflag:$0x1] =	stream.linear.gather [hbm4b:s19+s2], $0x80, $0x38;
	[tilespmem:$0x10200] =	vst v63  }
0x37: {  	s18 =	sadd.s32 s3, s20;
	s19 =	sand.u32 $0x1FFFFFF0, s22;
	s20 =	spop (v2sf)  }
0x38: {  	[tilespmem:s17], [sflag:$0x1] =	stream.linear.gather [hbm4b:s18+s2], $0x80, $0x38;
	[tilespmem:$0x10200] =	vst v63  }
0x39: {  	s17 =	sadd.s32 s3, s21;
	s18 =	sand.u32 $0x1FFFFFF0, s20;
	s20 =	spop (v2sf)  }
0x3a: {  	[tilespmem:s15], [sflag:$0x1] =	stream.linear.gather [hbm4b:s17+s2], $0x80, $0x38;
	[tilespmem:$0x10200] =	vst v63  }
0x3b: {  	s15 =	sadd.s32 s3, s19;
	s17 =	sand.u32 $0x1FFFFFF0, s20  }
0x3c: {  	[tilespmem:s16], [sflag:$0x1] =	stream.linear.gather [hbm4b:s15+s2], $0x80, $0x38;
	[tilespmem:$0x10200] =	vst v63  }
0x3d: {  	s15 =	sadd.s32 $0x900, s11;
	s16 =	sadd.s32 s3, s18  }
0x3e: {  	[tilespmem:s15], [sflag:$0x1] =	stream.linear.gather [hbm4b:s16+s2], $0x80, $0x38;
	[tilespmem:$0x10200] =	vst v63  }
0x3f: {  	s11 =	sadd.s32 $0x980, s11;
	s15 =	sadd.s32 s3, s17  }
0x40: {  	[tilespmem:s11], [sflag:$0x1] =	stream.linear.gather [hbm4b:s15+s2], $0x80, $0x38;
	[tilespmem:$0x10200] =	vst v63  }
0x41: {  	v0 =	vld [tilespmem:s13+$0x0];
	_ =	sdelay $0x4  }
0x42: {  	v0 =	vshll.u32 v0, $0x4  }
0x43: {  	(v2sf) =	vpush v0, $0x0  }
0x44: {  	(v2sf) =	vpush v0, $0x1  }
0x45: {  	(v2sf) =	vpush v0, $0x2;
	_ =	sdelay $0x1  }
0x46: {  	(v2sf) =	vpush v0, $0x4  }
.Ltmp0:
0x47: {  	(pc) =	sbr.rel @p0 .LBB2_2-.Ltmp0, $3  }
0x48: {  	(v2sf) =	vpush v0, $0x3  }
0x49: {  	(v2sf) =	vpush v0, $0x5;
	_ =	sdelay $0x1  }
0x4a: {  	s11 =	sshra.s32 s14, $0x2;
	(v2sf) =	vpush v0, $0x6  }
0x4b: {  	_ =	sdelay $0x1  }
0x4c: {  	s15 =	sadd.s32 $0x280, s11;
	s14 =	sadd.s32 $0x780, s11  }
0x4d: {  	s16 =	sadd.s32 $0x580, s11;
	s12 =	sadd.s32 $0x800, s11;
	(v2sf) =	vpush v0, $0x7;
	s17 =	sadd.s32 $0x480, s11  }
0x4e: {  	s18 =	sadd.s32 $0x600, s11;
	s13 =	sadd.s32 $0x880, s11;
	s19 =	sadd.s32 $0x200, s11  }
0x4f: {  	s20 =	sadd.s32 $0x400, s11;
	s21 =	sadd.s32 $0x500, s11;
	(v2sf) =	vpush v0, $0x8;
	s22 =	spop (v2sf)  }
0x50: {  	s23 =	sadd.s32 $0x300, s11;
	s22 =	sand.u32 $0x1FFFFFF0, s22;
	s24 =	spop (v2sf)  }
0x51: {  	(v2sf) =	vpush v0, $0x9;
	s22 =	sadd.s32 s3, s22;
	s24 =	sand.u32 $0x1FFFFFF0, s24;
	s25 =	spop (v2sf)  }
0x52: {  	[tilespmem:s19], [sflag:$0x1] =	stream.linear.gather [hbm4b:s22+s2], $0x80, $0x38;
	[tilespmem:$0x10200] =	vst v63  }
0x53: {  	s26 =	sadd.s32 $0x380, s11;
	(v2sf) =	vpush v0, $0xA;
	s30 =	sadd.s32 s3, s24;
	s31 =	spop (v2sf)  }
0x54: {  	[tilespmem:s15], [sflag:$0x1] =	stream.linear.gather [hbm4b:s30+s2], $0x80, $0x38;
	[tilespmem:$0x10200] =	vst v63  }
0x55: {  	s19 =	sadd.s32 $0x700, s11;
	s28 =	sand.u32 $0x1FFFFFF0, s25;
	(v2sf) =	vpush v0, $0xB;
	s29 =	spop (v2sf)  }
0x56: {  	s22 =	sadd.s32 s3, s28;
	s15 =	sadd.s32 $0x680, s11;
	s25 =	sand.u32 $0x1FFFFFF0, s29  }
0x57: {  	(v2sf) =	vpush v0, $0xC;
	[tilespmem:s23], [sflag:$0x1] =	stream.linear.gather [hbm4b:s22+s2], $0x80, $0x38;
	[tilespmem:$0x10200] =	vst v63  }
0x58: {  	s30 =	sand.u32 $0x1FFFFFF0, s31;
	s31 =	spop (v2sf);
	s28 =	sadd.s32 s3, s25  }
0x59: {  	(v2sf) =	vpush v0, $0xD;
	[tilespmem:s26], [sflag:$0x1] =	stream.linear.gather [hbm4b:s28+s2], $0x80, $0x38;
	[tilespmem:$0x10200] =	vst v63  }
0x5a: {  	s22 =	sadd.s32 s3, s30;
	s23 =	sand.u32 $0x1FFFFFF0, s31;
	s29 =	spop (v2sf)  }
0x5b: {  	(v2sf) =	vpush v0, $0xE;
	[tilespmem:s20], [sflag:$0x1] =	stream.linear.gather [hbm4b:s22+s2], $0x80, $0x38;
	[tilespmem:$0x10200] =	vst v63  }
0x5c: {  	s23 =	sadd.s32 s3, s23;
	s30 =	sand.u32 $0x1FFFFFF0, s29;
	s31 =	spop (v2sf)  }
0x5d: {  	(v2sf) =	vpush v0, $0xF;
	[tilespmem:s17], [sflag:$0x1] =	stream.linear.gather [hbm4b:s23+s2], $0x80, $0x38;
	[tilespmem:$0x10200] =	vst v63  }
0x5e: {  	s24 =	sand.u32 $0x1FFFFFF0, s31;
	s25 =	spop (v2sf);
	s20 =	sadd.s32 s3, s30  }
0x5f: {  	[tilespmem:s21], [sflag:$0x1] =	stream.linear.gather [hbm4b:s20+s2], $0x80, $0x38;
	[tilespmem:$0x10200] =	vst v63  }
0x60: {  	s26 =	sand.u32 $0x1FFFFFF0, s25;
	s17 =	sadd.s32 s3, s24;
	s28 =	spop (v2sf)  }
0x61: {  	[tilespmem:s16], [sflag:$0x1] =	stream.linear.gather [hbm4b:s17+s2], $0x80, $0x38;
	[tilespmem:$0x10200] =	vst v63  }
0x62: {  	s20 =	sadd.s32 s3, s26;
	s29 =	sand.u32 $0x1FFFFFF0, s28;
	s30 =	spop (v2sf)  }
0x63: {  	[tilespmem:s18], [sflag:$0x1] =	stream.linear.gather [hbm4b:s20+s2], $0x80, $0x38;
	[tilespmem:$0x10200] =	vst v63  }
0x64: {  	s17 =	sand.u32 $0x1FFFFFF0, s30;
	s16 =	sadd.s32 s3, s29;
	s31 =	spop (v2sf)  }
0x65: {  	[tilespmem:s15], [sflag:$0x1] =	stream.linear.gather [hbm4b:s16+s2], $0x80, $0x38;
	[tilespmem:$0x10200] =	vst v63  }
0x66: {  	s17 =	sadd.s32 s3, s17;
	s20 =	sand.u32 $0x1FFFFFF0, s31;
	s21 =	spop (v2sf)  }
0x67: {  	[tilespmem:s19], [sflag:$0x1] =	stream.linear.gather [hbm4b:s17+s2], $0x80, $0x38;
	[tilespmem:$0x10200] =	vst v63  }
0x68: {  	s15 =	sadd.s32 s3, s20;
	s16 =	sand.u32 $0x1FFFFFF0, s21;
	s22 =	spop (v2sf)  }
0x69: {  	[tilespmem:s14], [sflag:$0x1] =	stream.linear.gather [hbm4b:s15+s2], $0x80, $0x38;
	[tilespmem:$0x10200] =	vst v63  }
0x6a: {  	s23 =	sand.u32 $0x1FFFFFF0, s22;
	s16 =	sadd.s32 s3, s16;
	s24 =	spop (v2sf)  }
0x6b: {  	[tilespmem:s12], [sflag:$0x1] =	stream.linear.gather [hbm4b:s16+s2], $0x80, $0x38;
	[tilespmem:$0x10200] =	vst v63  }
0x6c: {  	s25 =	sand.u32 $0x1FFFFFF0, s24;
	s26 =	spop (v2sf);
	s14 =	sadd.s32 s3, s23  }
0x6d: {  	[tilespmem:s13], [sflag:$0x1] =	stream.linear.gather [hbm4b:s14+s2], $0x80, $0x38;
	[tilespmem:$0x10200] =	vst v63  }
0x6e: {  	s29 =	sadd.s32 $0x900, s11;
	s28 =	sand.u32 $0x1FFFFFF0, s26;
	s12 =	sadd.s32 s3, s25  }
0x6f: {  	[tilespmem:s29], [sflag:$0x1] =	stream.linear.gather [hbm4b:s12+s2], $0x80, $0x38;
	[tilespmem:$0x10200] =	vst v63  }
0x70: {  	s30 =	sadd.s32 $0x980, s11;
	s31 =	sadd.s32 s3, s28  }
0x71: {  	[tilespmem:s30], [sflag:$0x1] =	stream.linear.gather [hbm4b:s31+s2], $0x80, $0x38;
	[tilespmem:$0x10200] =	vst v63  }
0x72: {  	s10 =	sadd.s32 $0x1, s10;
	_ =	swait.ge [sflag:s8], $0x10000  }
0x73: {  	p0 =	sne.s32 s10, s6;
	[sflag:s8] =	ssyncset.done $0x0  }
.Ltmp1:
0x74: {  	[sflag:s8] =	ssyncadd.s32 $0xFFFF0000;
	(pc) =	sbr.rel @p0 .LBB2_1-.Ltmp1, $4  }
0x75: {  	[hbm4b:s5+s2] =	stream.linear.scatter [tilespmem:s9], [sflag:$0x2], $0x10000, $0x38;
	[tilespmem:$0x10200] =	vst v63  }
0x76: {  	_ =	swait.ge [sflag:s7], $0x10000  }
0x77: {  	[sflag:s7] =	ssyncset.done $0x0  }
0x78: {  	[sflag:s7] =	ssyncadd.s32 $0xFFFF0000  }
0x79: {  	_ =	sfence.sel $0x180000  }
0x7a: {  	[bflag:$0x0] =	sbarrier.arrive $0xFFFF  }
0x7b: {  	p0 =	sne.s32 s1, $0x0;
	_ =	strace $0x90000047  }
0x7c: {  	s0 =	sadd.s32 @!p0 $0x100000, s0;
	[bflag:$0x2] =	sbarrier.arrive $0xFFFF  }
0x7d: {  	[sflag:s0] =	ssyncadd.tile.s32 @!p0 $0x1;
	_ =	shalt  }
.Lfunc_end2:
_tile_overlayer_lowered:
.L_overlay_start_2:
0x7e: {  	(tag) =	ssettag $0x2  }
0x7f: {  	s0 =	rddreg [dreg:$0x0];
	s2 =	stileid.u32  }
0x80: {  	s1 =	rddreg [dreg:$0x1];
	p0 =	sne.s32 s2, $0x0  }
0x81: {  	s3 =	rddreg [dreg:$0x2];
	[bflag:$0x3] =	sbarrier.arrive $0xFFFF;
	s2 =	simm.s32 @!p0 $0x1C02  }
0x82: {  	[timem:s3], [sflag:s2] =	dma.local @!p0 [hbm:s0], s1  }
0x83: {  	s0 =	simm.s32 @!p0 $0x2  }
0x84: {  	_ =	swait.ge @!p0 [sflag:s0], s1  }
0x85: {  	s1 =	ssub.s32 @!p0 $0x0, s1;
	[sflag:s0] =	ssyncset.done @!p0 $0x0  }
0x86: {  	[sflag:s0] =	ssyncadd.s32 @!p0 s1  }
0x87: {  	[bflag:$0x3] =	sbarrier.arrive $0xFFFF  }
0x88: {  	_ =	shalt  }

</sc_bundles>
